<compile_context>
chip_gen: v7x
topology: tpu7x:2x2x1
jax: 0.10.2.dev20260603
libtpu: 0.0.44.dev20260713+nightly
codegen_flags: <defaults>
</compile_context>

<pallas_src>
import functools

import jax
import jax.numpy as jnp
from jax import lax
from jax.experimental import pallas as pl
from jax.experimental.pallas import tpu as pltpu
from jax.experimental.pallas import tpu_sc as plsc

DIM_ = 32
NC = 2
NS = 16
NW = NC * NS
C = 128
G = 4


def _gather_body(n_steps, w_hbm, x_hbm, out_hbm, idx_v, raw_v, sems):
    wid = lax.axis_index("s") * NC + lax.axis_index("c")
    pltpu.sync_copy(x_hbm.at[pl.ds(wid * n_steps * G, n_steps * G)], idx_v)

    def step(i, carry):
        copies = []
        for g in range(G):
            copies.append(pltpu.make_async_copy(
                w_hbm.at[idx_v.at[i * G + g]],
                raw_v.at[pl.ds(g * C, C)], sems.at[g]))
        for cp in copies:
            cp.start()
        for cp in copies:
            cp.wait()
        pltpu.sync_copy(
            raw_v, out_hbm.at[pl.ds((wid * n_steps + i) * (G * C), G * C)])
        return carry

    lax.fori_loop(0, n_steps, step, 0)


def _dequant_body(L, x_ref, s_ref, o_ref):
    v = x_ref[...].astype(jnp.float32) * s_ref[0, 0]
    b_blk = x_ref.shape[0]
    o_ref[...] = v.reshape(b_blk, L, DIM_).transpose(1, 2, 0)


def kernel(x, weight, scale):
    B, L = x.shape
    vocab, dim = weight.shape
    n = B * L
    assert dim == DIM_ and n % (NW * C * G) == 0
    n_steps = n // (NW * C * G)

    x2 = x.reshape(n // C, C)

    mesh = plsc.VectorSubcoreMesh(core_axis_name="c", subcore_axis_name="s",
                                  num_cores=NC, num_subcores=NS)
    gather = pl.kernel(
        functools.partial(_gather_body, n_steps),
        out_type=jax.ShapeDtypeStruct((n, dim), jnp.int8),
        mesh=mesh,
        scratch_types=[
            pltpu.VMEM((n_steps * G, C), jnp.int32),
            pltpu.VMEM((G * C, dim), jnp.int8),
            pltpu.SemaphoreType.DMA((G,)),
        ],
        compiler_params=pltpu.CompilerParams(needs_layout_passes=False,
                                             use_tc_tiling_on_sc=False),
    )
    g8 = gather(weight, x2)

    b_blk = 1024
    g3 = g8.reshape(B, L * dim)
    dequant = pl.pallas_call(
        functools.partial(_dequant_body, L),
        grid=(B // b_blk,),
        in_specs=[
            pl.BlockSpec((b_blk, L * dim), lambda i: (i, 0)),
            pl.BlockSpec(memory_space=pltpu.SMEM),
        ],
        out_specs=pl.BlockSpec((L, dim, b_blk), lambda i: (0, 0, i)),
        out_shape=jax.ShapeDtypeStruct((L, dim, B), jnp.float32),
    )
    out = dequant(g3, scale.astype(jnp.float32).reshape(1, 1))
    return out.transpose(2, 0, 1)

# --- scband reference (transcript-rebuilt; emitter-appended) ---
"""Pipeline reference for scband-qembedding-64415919506095 (READ-ONLY COPY).

The authoritative reference and input builder live on the scoring server;
editing this copy changes nothing except your own understanding.
"""

import jax, jax.numpy as jnp
import numpy as np

VOCAB = 1000000
DIM = 32
B = 16384
L = 20


def setup_inputs(seed: int = 0) -> dict:
    key = jax.random.key(seed)
    k1, k2, k3 = jax.random.split(key, 3)
    # indices into the embedding table (int32 to stay safe without x64 mode)
    x = jax.random.randint(k1, (B, L), 0, VOCAB, dtype=jnp.int32)
    # quantized int8 embedding table (the 'plain' tensor stored by QEmbedding)
    weight = jax.random.randint(k2, (VOCAB, DIM), -128, 128, dtype=jnp.int8)
    # per-tensor quantization scale from the weight observer (scalar)
    scale = jax.random.uniform(k3, (), minval=0.001, maxval=0.01, dtype=jnp.float32)
    return {"x": x, "weight": weight, "scale": scale}


def reference(x, weight, scale):
    # F.embedding(x, self.weight) on the int8 table, cast to the original
    # float dtype, then dequantize by multiplying with the scale.
    emb = jnp.take(weight, x, axis=0)            # gather: [B, L, DIM] int8
    out = emb.astype(jnp.float32) * scale        # dequantize
    return out

if __name__ == "__main__":
    import jax
    _d = setup_inputs()
    print(jax.jit(kernel)(*tuple(_d.values())))

</pallas_src>

<mosaic_0001>
#map = affine_map<(d0, d1) -> (0, 0)>
module attributes {stable_mosaic.version = 14 : i64} {
  func.func @_gather_body(%arg0: i32, %arg1: i32, %arg2: memref<1000000x32xi8, #tpu.memory_space<hbm>>, %arg3: memref<2560x128xi32, #tpu.memory_space<hbm>>, %arg4: memref<327680x32xi8, #tpu.memory_space<hbm>>, %arg5: memref<80x128xi32, #tpu.memory_space<vmem>>, %arg6: memref<512x32xi8, #tpu.memory_space<vmem>>, %arg7: memref<4x!tpu.dma_semaphore, #tpu.memory_space<semaphore_mem>>) attributes {dimension_semantics = [#tpu.dimension_semantics<core_parallel>, #tpu.dimension_semantics<subcore_parallel>], iteration_bounds = array<i64: 2, 16>, scalar_prefetch = 0 : i64, scratch_operands = 3 : i64, tpu.core_type = #tpu.core_type<sc_vector_subcore>, window_params = [{transform_indices = #map}, {transform_indices = #map}, {transform_indices = #map}]} {
    %mul3A = arith.constant 2 : i32
    %mul3A_0 = arith.muli %arg1, %mul3A : i32
    %add3A = arith.addi %mul3A_0, %arg0 : i32
    %mul3A_1 = arith.constant 20 : i32
    %mul3A_2 = arith.muli %add3A, %mul3A_1 : i32
    %mul3A_3 = arith.constant 4 : i32
    %mul3A_4 = arith.muli %mul3A_2, %mul3A_3 : i32
    "tpu.region"() ({
      %run_scoped3A = tpu.sem_alloc : memref<!tpu.dma_semaphore, #tpu.memory_space<semaphore_mem>>
      %dma_start3A = arith.constant 0 : i32
      %dma_start3A_10 = tpu.memref_slice %arg3[%mul3A_4, %dma_start3A] : memref<2560x128xi32, #tpu.memory_space<hbm>> -> memref<80x128xi32, #tpu.memory_space<hbm>>
      %dma_start3A_11 = arith.constant 0 : i32
      %dma_start3A_12 = tpu.memref_slice %arg3[%mul3A_4, %dma_start3A_11] : memref<2560x128xi32, #tpu.memory_space<hbm>> -> memref<80x128xi32, #tpu.memory_space<hbm>>
      tpu.enqueue_dma source(%dma_start3A_12 : memref<80x128xi32, #tpu.memory_space<hbm>>) target(%arg5 : memref<80x128xi32, #tpu.memory_space<vmem>>) target_semaphore(%run_scoped3A : memref<!tpu.dma_semaphore, #tpu.memory_space<semaphore_mem>>)
      %dma_wait3A = arith.constant 0 : i32
      %dma_wait3A_13 = tpu.memref_slice %arg3[%mul3A_4, %dma_wait3A] : memref<2560x128xi32, #tpu.memory_space<hbm>> -> memref<80x128xi32, #tpu.memory_space<hbm>>
      %dma_wait3A_14 = arith.constant 0 : i32
      %dma_wait3A_15 = tpu.memref_slice %arg3[%mul3A_4, %dma_wait3A_14] : memref<2560x128xi32, #tpu.memory_space<hbm>> -> memref<80x128xi32, #tpu.memory_space<hbm>>
      tpu.wait_dma2 semaphore(%run_scoped3A : memref<!tpu.dma_semaphore, #tpu.memory_space<semaphore_mem>>) src(%dma_wait3A_15 : memref<80x128xi32, #tpu.memory_space<hbm>>) dst(%arg5 : memref<80x128xi32, #tpu.memory_space<vmem>>)
      tpu.yield
    }) : () -> ()
    %scan3A = arith.constant 0 : i32
    %scan3A_5 = arith.constant 0 : i32
    %scan3A_6 = arith.constant 20 : i32
    %scan3A_7 = arith.addi %scan3A_5, %scan3A_6 : i32
    %scan3A_8 = arith.constant 1 : i32
    scf.for %scan3A_10 = %scan3A_5 to %scan3A_7 step %scan3A_8  : i32 {
      %mul3A_11 = arith.constant 4 : i32
      %mul3A_12 = arith.muli %scan3A_10, %mul3A_11 : i32
      %add3A_13 = arith.constant 0 : i32
      %add3A_14 = arith.addi %mul3A_12, %add3A_13 : i32
      %mul3A_15 = arith.constant 4 : i32
      %mul3A_16 = arith.muli %scan3A_10, %mul3A_15 : i32
      %add3A_17 = arith.constant 1 : i32
      %add3A_18 = arith.addi %mul3A_16, %add3A_17 : i32
      %mul3A_19 = arith.constant 4 : i32
      %mul3A_20 = arith.muli %scan3A_10, %mul3A_19 : i32
      %add3A_21 = arith.constant 2 : i32
      %add3A_22 = arith.addi %mul3A_20, %add3A_21 : i32
      %mul3A_23 = arith.constant 4 : i32
      %mul3A_24 = arith.muli %scan3A_10, %mul3A_23 : i32
      %add3A_25 = arith.constant 3 : i32
      %add3A_26 = arith.addi %mul3A_24, %add3A_25 : i32
      %dma_start3A = arith.constant 0 : i32
      %dma_start3A_27 = arith.constant 0 : i32
      %dma_start3A_28 = arith.constant 0 : i32
      %dma_start3A_29 = tpu.memref_slice %arg6[%dma_start3A_27, %dma_start3A_28] : memref<512x32xi8, #tpu.memory_space<vmem>> -> memref<128x32xi8, #tpu.memory_space<vmem>>
      %dma_start3A_30 = arith.constant 0 : i32
      %dma_start3A_31 = tpu.memref_slice %arg5[%add3A_14, %dma_start3A_30] : memref<80x128xi32, #tpu.memory_space<vmem>> -> memref<1x128xi32, #tpu.memory_space<vmem>>
      %dma_start3A_32 = tpu.memref_squeeze %dma_start3A_31 : memref<1x128xi32, #tpu.memory_space<vmem>> -> memref<128xi32, #tpu.memory_space<vmem>>
      %dma_start3A_33 = arith.constant 0 : i32
      %dma_start3A_34 = arith.constant 0 : i32
      %dma_start3A_35 = tpu.memref_slice %arg2[%dma_start3A_33, %dma_start3A_34] : memref<1000000x32xi8, #tpu.memory_space<hbm>> -> memref<1000000x32xi8, #tpu.memory_space<hbm>>
      %dma_start3A_36 = tpu.memref_slice %arg7[%dma_start3A] : memref<4x!tpu.dma_semaphore, #tpu.memory_space<semaphore_mem>> -> memref<1x!tpu.dma_semaphore, #tpu.memory_space<semaphore_mem>>
      %dma_start3A_37 = tpu.memref_squeeze %dma_start3A_36 : memref<1x!tpu.dma_semaphore, #tpu.memory_space<semaphore_mem>> -> memref<!tpu.dma_semaphore, #tpu.memory_space<semaphore_mem>>
      tpu.enqueue_indirect_dma source(%dma_start3A_35 : memref<1000000x32xi8, #tpu.memory_space<hbm>>) target(%dma_start3A_29 : memref<128x32xi8, #tpu.memory_space<vmem>>) offsets(%dma_start3A_32 : memref<128xi32, #tpu.memory_space<vmem>>) semaphore(%dma_start3A_37 : memref<!tpu.dma_semaphore, #tpu.memory_space<semaphore_mem>>)
      %dma_start3A_38 = arith.constant 1 : i32
      %dma_start3A_39 = arith.constant 128 : i32
      %dma_start3A_40 = arith.constant 0 : i32
      %dma_start3A_41 = tpu.memref_slice %arg6[%dma_start3A_39, %dma_start3A_40] : memref<512x32xi8, #tpu.memory_space<vmem>> -> memref<128x32xi8, #tpu.memory_space<vmem>>
      %dma_start3A_42 = arith.constant 0 : i32
      %dma_start3A_43 = tpu.memref_slice %arg5[%add3A_18, %dma_start3A_42] : memref<80x128xi32, #tpu.memory_space<vmem>> -> memref<1x128xi32, #tpu.memory_space<vmem>>
      %dma_start3A_44 = tpu.memref_squeeze %dma_start3A_43 : memref<1x128xi32, #tpu.memory_space<vmem>> -> memref<128xi32, #tpu.memory_space<vmem>>
      %dma_start3A_45 = arith.constant 0 : i32
      %dma_start3A_46 = arith.constant 0 : i32
      %dma_start3A_47 = tpu.memref_slice %arg2[%dma_start3A_45, %dma_start3A_46] : memref<1000000x32xi8, #tpu.memory_space<hbm>> -> memref<1000000x32xi8, #tpu.memory_space<hbm>>
      %dma_start3A_48 = tpu.memref_slice %arg7[%dma_start3A_38] : memref<4x!tpu.dma_semaphore, #tpu.memory_space<semaphore_mem>> -> memref<1x!tpu.dma_semaphore, #tpu.memory_space<semaphore_mem>>
      %dma_start3A_49 = tpu.memref_squeeze %dma_start3A_48 : memref<1x!tpu.dma_semaphore, #tpu.memory_space<semaphore_mem>> -> memref<!tpu.dma_semaphore, #tpu.memory_space<semaphore_mem>>
      tpu.enqueue_indirect_dma source(%dma_start3A_47 : memref<1000000x32xi8, #tpu.memory_space<hbm>>) target(%dma_start3A_41 : memref<128x32xi8, #tpu.memory_space<vmem>>) offsets(%dma_start3A_44 : memref<128xi32, #tpu.memory_space<vmem>>) semaphore(%dma_start3A_49 : memref<!tpu.dma_semaphore, #tpu.memory_space<semaphore_mem>>)
      %dma_start3A_50 = arith.constant 2 : i32
      %dma_start3A_51 = arith.constant 256 : i32
      %dma_start3A_52 = arith.constant 0 : i32
      %dma_start3A_53 = tpu.memref_slice %arg6[%dma_start3A_51, %dma_start3A_52] : memref<512x32xi8, #tpu.memory_space<vmem>> -> memref<128x32xi8, #tpu.memory_space<vmem>>
      %dma_start3A_54 = arith.constant 0 : i32
      %dma_start3A_55 = tpu.memref_slice %arg5[%add3A_22, %dma_start3A_54] : memref<80x128xi32, #tpu.memory_space<vmem>> -> memref<1x128xi32, #tpu.memory_space<vmem>>
      %dma_start3A_56 = tpu.memref_squeeze %dma_start3A_55 : memref<1x128xi32, #tpu.memory_space<vmem>> -> memref<128xi32, #tpu.memory_space<vmem>>
      %dma_start3A_57 = arith.constant 0 : i32
      %dma_start3A_58 = arith.constant 0 : i32
      %dma_start3A_59 = tpu.memref_slice %arg2[%dma_start3A_57, %dma_start3A_58] : memref<1000000x32xi8, #tpu.memory_space<hbm>> -> memref<1000000x32xi8, #tpu.memory_space<hbm>>
      %dma_start3A_60 = tpu.memref_slice %arg7[%dma_start3A_50] : memref<4x!tpu.dma_semaphore, #tpu.memory_space<semaphore_mem>> -> memref<1x!tpu.dma_semaphore, #tpu.memory_space<semaphore_mem>>
      %dma_start3A_61 = tpu.memref_squeeze %dma_start3A_60 : memref<1x!tpu.dma_semaphore, #tpu.memory_space<semaphore_mem>> -> memref<!tpu.dma_semaphore, #tpu.memory_space<semaphore_mem>>
      tpu.enqueue_indirect_dma source(%dma_start3A_59 : memref<1000000x32xi8, #tpu.memory_space<hbm>>) target(%dma_start3A_53 : memref<128x32xi8, #tpu.memory_space<vmem>>) offsets(%dma_start3A_56 : memref<128xi32, #tpu.memory_space<vmem>>) semaphore(%dma_start3A_61 : memref<!tpu.dma_semaphore, #tpu.memory_space<semaphore_mem>>)
      %dma_start3A_62 = arith.constant 3 : i32
      %dma_start3A_63 = arith.constant 384 : i32
      %dma_start3A_64 = arith.constant 0 : i32
      %dma_start3A_65 = tpu.memref_slice %arg6[%dma_start3A_63, %dma_start3A_64] : memref<512x32xi8, #tpu.memory_space<vmem>> -> memref<128x32xi8, #tpu.memory_space<vmem>>
      %dma_start3A_66 = arith.constant 0 : i32
      %dma_start3A_67 = tpu.memref_slice %arg5[%add3A_26, %dma_start3A_66] : memref<80x128xi32, #tpu.memory_space<vmem>> -> memref<1x128xi32, #tpu.memory_space<vmem>>
      %dma_start3A_68 = tpu.memref_squeeze %dma_start3A_67 : memref<1x128xi32, #tpu.memory_space<vmem>> -> memref<128xi32, #tpu.memory_space<vmem>>
      %dma_start3A_69 = arith.constant 0 : i32
      %dma_start3A_70 = arith.constant 0 : i32
      %dma_start3A_71 = tpu.memref_slice %arg2[%dma_start3A_69, %dma_start3A_70] : memref<1000000x32xi8, #tpu.memory_space<hbm>> -> memref<1000000x32xi8, #tpu.memory_space<hbm>>
      %dma_start3A_72 = tpu.memref_slice %arg7[%dma_start3A_62] : memref<4x!tpu.dma_semaphore, #tpu.memory_space<semaphore_mem>> -> memref<1x!tpu.dma_semaphore, #tpu.memory_space<semaphore_mem>>
      %dma_start3A_73 = tpu.memref_squeeze %dma_start3A_72 : memref<1x!tpu.dma_semaphore, #tpu.memory_space<semaphore_mem>> -> memref<!tpu.dma_semaphore, #tpu.memory_space<semaphore_mem>>
      tpu.enqueue_indirect_dma source(%dma_start3A_71 : memref<1000000x32xi8, #tpu.memory_space<hbm>>) target(%dma_start3A_65 : memref<128x32xi8, #tpu.memory_space<vmem>>) offsets(%dma_start3A_68 : memref<128xi32, #tpu.memory_space<vmem>>) semaphore(%dma_start3A_73 : memref<!tpu.dma_semaphore, #tpu.memory_space<semaphore_mem>>)
      %dma_wait3A = arith.constant 0 : i32
      %dma_wait3A_74 = arith.constant 0 : i32
      %dma_wait3A_75 = arith.constant 0 : i32
      %dma_wait3A_76 = tpu.memref_slice %arg6[%dma_wait3A_74, %dma_wait3A_75] : memref<512x32xi8, #tpu.memory_space<vmem>> -> memref<128x32xi8, #tpu.memory_space<vmem>>
      %dma_wait3A_77 = arith.constant 0 : i32
      %dma_wait3A_78 = tpu.memref_slice %arg5[%add3A_14, %dma_wait3A_77] : memref<80x128xi32, #tpu.memory_space<vmem>> -> memref<1x128xi32, #tpu.memory_space<vmem>>
      %dma_wait3A_79 = tpu.memref_squeeze %dma_wait3A_78 : memref<1x128xi32, #tpu.memory_space<vmem>> -> memref<128xi32, #tpu.memory_space<vmem>>
      %dma_wait3A_80 = arith.constant 0 : i32
      %dma_wait3A_81 = arith.constant 0 : i32
      %dma_wait3A_82 = tpu.memref_slice %arg2[%dma_wait3A_80, %dma_wait3A_81] : memref<1000000x32xi8, #tpu.memory_space<hbm>> -> memref<1000000x32xi8, #tpu.memory_space<hbm>>
      %dma_wait3A_83 = tpu.memref_slice %arg7[%dma_wait3A] : memref<4x!tpu.dma_semaphore, #tpu.memory_space<semaphore_mem>> -> memref<1x!tpu.dma_semaphore, #tpu.memory_space<semaphore_mem>>
      %dma_wait3A_84 = tpu.memref_squeeze %dma_wait3A_83 : memref<1x!tpu.dma_semaphore, #tpu.memory_space<semaphore_mem>> -> memref<!tpu.dma_semaphore, #tpu.memory_space<semaphore_mem>>
      tpu.wait_indirect_dma semaphore(%dma_wait3A_84 : memref<!tpu.dma_semaphore, #tpu.memory_space<semaphore_mem>>) src(%dma_wait3A_82 : memref<1000000x32xi8, #tpu.memory_space<hbm>>) dst(%dma_wait3A_76 : memref<128x32xi8, #tpu.memory_space<vmem>>)
      %dma_wait3A_85 = arith.constant 1 : i32
      %dma_wait3A_86 = arith.constant 128 : i32
      %dma_wait3A_87 = arith.constant 0 : i32
      %dma_wait3A_88 = tpu.memref_slice %arg6[%dma_wait3A_86, %dma_wait3A_87] : memref<512x32xi8, #tpu.memory_space<vmem>> -> memref<128x32xi8, #tpu.memory_space<vmem>>
      %dma_wait3A_89 = arith.constant 0 : i32
      %dma_wait3A_90 = tpu.memref_slice %arg5[%add3A_18, %dma_wait3A_89] : memref<80x128xi32, #tpu.memory_space<vmem>> -> memref<1x128xi32, #tpu.memory_space<vmem>>
      %dma_wait3A_91 = tpu.memref_squeeze %dma_wait3A_90 : memref<1x128xi32, #tpu.memory_space<vmem>> -> memref<128xi32, #tpu.memory_space<vmem>>
      %dma_wait3A_92 = arith.constant 0 : i32
      %dma_wait3A_93 = arith.constant 0 : i32
      %dma_wait3A_94 = tpu.memref_slice %arg2[%dma_wait3A_92, %dma_wait3A_93] : memref<1000000x32xi8, #tpu.memory_space<hbm>> -> memref<1000000x32xi8, #tpu.memory_space<hbm>>
      %dma_wait3A_95 = tpu.memref_slice %arg7[%dma_wait3A_85] : memref<4x!tpu.dma_semaphore, #tpu.memory_space<semaphore_mem>> -> memref<1x!tpu.dma_semaphore, #tpu.memory_space<semaphore_mem>>
      %dma_wait3A_96 = tpu.memref_squeeze %dma_wait3A_95 : memref<1x!tpu.dma_semaphore, #tpu.memory_space<semaphore_mem>> -> memref<!tpu.dma_semaphore, #tpu.memory_space<semaphore_mem>>
      tpu.wait_indirect_dma semaphore(%dma_wait3A_96 : memref<!tpu.dma_semaphore, #tpu.memory_space<semaphore_mem>>) src(%dma_wait3A_94 : memref<1000000x32xi8, #tpu.memory_space<hbm>>) dst(%dma_wait3A_88 : memref<128x32xi8, #tpu.memory_space<vmem>>)
      %dma_wait3A_97 = arith.constant 2 : i32
      %dma_wait3A_98 = arith.constant 256 : i32
      %dma_wait3A_99 = arith.constant 0 : i32
      %dma_wait3A_100 = tpu.memref_slice %arg6[%dma_wait3A_98, %dma_wait3A_99] : memref<512x32xi8, #tpu.memory_space<vmem>> -> memref<128x32xi8, #tpu.memory_space<vmem>>
      %dma_wait3A_101 = arith.constant 0 : i32
      %dma_wait3A_102 = tpu.memref_slice %arg5[%add3A_22, %dma_wait3A_101] : memref<80x128xi32, #tpu.memory_space<vmem>> -> memref<1x128xi32, #tpu.memory_space<vmem>>
      %dma_wait3A_103 = tpu.memref_squeeze %dma_wait3A_102 : memref<1x128xi32, #tpu.memory_space<vmem>> -> memref<128xi32, #tpu.memory_space<vmem>>
      %dma_wait3A_104 = arith.constant 0 : i32
      %dma_wait3A_105 = arith.constant 0 : i32
      %dma_wait3A_106 = tpu.memref_slice %arg2[%dma_wait3A_104, %dma_wait3A_105] : memref<1000000x32xi8, #tpu.memory_space<hbm>> -> memref<1000000x32xi8, #tpu.memory_space<hbm>>
      %dma_wait3A_107 = tpu.memref_slice %arg7[%dma_wait3A_97] : memref<4x!tpu.dma_semaphore, #tpu.memory_space<semaphore_mem>> -> memref<1x!tpu.dma_semaphore, #tpu.memory_space<semaphore_mem>>
      %dma_wait3A_108 = tpu.memref_squeeze %dma_wait3A_107 : memref<1x!tpu.dma_semaphore, #tpu.memory_space<semaphore_mem>> -> memref<!tpu.dma_semaphore, #tpu.memory_space<semaphore_mem>>
      tpu.wait_indirect_dma semaphore(%dma_wait3A_108 : memref<!tpu.dma_semaphore, #tpu.memory_space<semaphore_mem>>) src(%dma_wait3A_106 : memref<1000000x32xi8, #tpu.memory_space<hbm>>) dst(%dma_wait3A_100 : memref<128x32xi8, #tpu.memory_space<vmem>>)
      %dma_wait3A_109 = arith.constant 3 : i32
      %dma_wait3A_110 = arith.constant 384 : i32
      %dma_wait3A_111 = arith.constant 0 : i32
      %dma_wait3A_112 = tpu.memref_slice %arg6[%dma_wait3A_110, %dma_wait3A_111] : memref<512x32xi8, #tpu.memory_space<vmem>> -> memref<128x32xi8, #tpu.memory_space<vmem>>
      %dma_wait3A_113 = arith.constant 0 : i32
      %dma_wait3A_114 = tpu.memref_slice %arg5[%add3A_26, %dma_wait3A_113] : memref<80x128xi32, #tpu.memory_space<vmem>> -> memref<1x128xi32, #tpu.memory_space<vmem>>
      %dma_wait3A_115 = tpu.memref_squeeze %dma_wait3A_114 : memref<1x128xi32, #tpu.memory_space<vmem>> -> memref<128xi32, #tpu.memory_space<vmem>>
      %dma_wait3A_116 = arith.constant 0 : i32
      %dma_wait3A_117 = arith.constant 0 : i32
      %dma_wait3A_118 = tpu.memref_slice %arg2[%dma_wait3A_116, %dma_wait3A_117] : memref<1000000x32xi8, #tpu.memory_space<hbm>> -> memref<1000000x32xi8, #tpu.memory_space<hbm>>
      %dma_wait3A_119 = tpu.memref_slice %arg7[%dma_wait3A_109] : memref<4x!tpu.dma_semaphore, #tpu.memory_space<semaphore_mem>> -> memref<1x!tpu.dma_semaphore, #tpu.memory_space<semaphore_mem>>
      %dma_wait3A_120 = tpu.memref_squeeze %dma_wait3A_119 : memref<1x!tpu.dma_semaphore, #tpu.memory_space<semaphore_mem>> -> memref<!tpu.dma_semaphore, #tpu.memory_space<semaphore_mem>>
      tpu.wait_indirect_dma semaphore(%dma_wait3A_120 : memref<!tpu.dma_semaphore, #tpu.memory_space<semaphore_mem>>) src(%dma_wait3A_118 : memref<1000000x32xi8, #tpu.memory_space<hbm>>) dst(%dma_wait3A_112 : memref<128x32xi8, #tpu.memory_space<vmem>>)
      %mul3A_121 = arith.constant 20 : i32
      %mul3A_122 = arith.muli %add3A, %mul3A_121 : i32
      %add3A_123 = arith.addi %mul3A_122, %scan3A_10 : i32
      %mul3A_124 = arith.constant 512 : i32
      %mul3A_125 = arith.muli %add3A_123, %mul3A_124 : i32
      "tpu.region"() ({
        %run_scoped3A = tpu.sem_alloc : memref<!tpu.dma_semaphore, #tpu.memory_space<semaphore_mem>>
        %dma_start3A_126 = arith.constant 0 : i32
        %dma_start3A_127 = tpu.memref_slice %arg4[%mul3A_125, %dma_start3A_126] : memref<327680x32xi8, #tpu.memory_space<hbm>> -> memref<512x32xi8, #tpu.memory_space<hbm>>
        %dma_start3A_128 = arith.constant 0 : i32
        %dma_start3A_129 = tpu.memref_slice %arg4[%mul3A_125, %dma_start3A_128] : memref<327680x32xi8, #tpu.memory_space<hbm>> -> memref<512x32xi8, #tpu.memory_space<hbm>>
        tpu.enqueue_dma source(%arg6 : memref<512x32xi8, #tpu.memory_space<vmem>>) target(%dma_start3A_129 : memref<512x32xi8, #tpu.memory_space<hbm>>) target_semaphore(%run_scoped3A : memref<!tpu.dma_semaphore, #tpu.memory_space<semaphore_mem>>)
        %dma_wait3A_130 = arith.constant 0 : i32
        %dma_wait3A_131 = tpu.memref_slice %arg4[%mul3A_125, %dma_wait3A_130] : memref<327680x32xi8, #tpu.memory_space<hbm>> -> memref<512x32xi8, #tpu.memory_space<hbm>>
        %dma_wait3A_132 = arith.constant 0 : i32
        %dma_wait3A_133 = tpu.memref_slice %arg4[%mul3A_125, %dma_wait3A_132] : memref<327680x32xi8, #tpu.memory_space<hbm>> -> memref<512x32xi8, #tpu.memory_space<hbm>>
        tpu.wait_dma2 semaphore(%run_scoped3A : memref<!tpu.dma_semaphore, #tpu.memory_space<semaphore_mem>>) src(%arg6 : memref<512x32xi8, #tpu.memory_space<vmem>>) dst(%dma_wait3A_133 : memref<512x32xi8, #tpu.memory_space<hbm>>)
        tpu.yield
      }) : () -> ()
    }
    %scan3A_9 = arith.constant 20 : i32
    return
  }
}

module attributes {stable_mosaic.version = 14 : i64} {
  func.func @_dequant_body(%arg0: i32, %arg1: memref<1024x640xi8, #tpu.memory_space<vmem>>, %arg2: memref<1x1xf32, #tpu.memory_space<smem>>, %arg3: memref<20x32x1024xf32, #tpu.memory_space<vmem>>) attributes {dimension_semantics = [#tpu.dimension_semantics<arbitrary>], iteration_bounds = array<i64: 16>, scalar_prefetch = 0 : i64, scratch_operands = 0 : i64, tpu.core_type = #tpu.core_type<tc>, window_params = [{transform_indices = @transform_0, window_bounds = array<i64: 1024, 640>}, {transform_indices = @transform_1, window_bounds = array<i64: 1, 1>}, {transform_indices = @transform_2, window_bounds = array<i64: 20, 32, 1024>}]} {
    %get3A = arith.constant 0 : index
    %get3A_0 = arith.constant 0 : index
    %get3A_1 = vector.load %arg1[%get3A, %get3A_0] : memref<1024x640xi8, #tpu.memory_space<vmem>>, vector<1024x640xi8>
    %convert_element_type3A = arith.sitofp %get3A_1 : vector<1024x640xi8> to vector<1024x640xf32>
    %get3A_2 = arith.constant 0 : index
    %get3A_3 = arith.constant 0 : index
    %get3A_4 = memref.load %arg2[%get3A_2, %get3A_3] : memref<1x1xf32, #tpu.memory_space<smem>>
    %mul3A = vector.broadcast %get3A_4 : f32 to vector<1024x640xf32>
    %mul3A_5 = arith.mulf %convert_element_type3A, %mul3A : vector<1024x640xf32>
    %reshape3A = vector.shape_cast %mul3A_5 : vector<1024x640xf32> to vector<1024x20x32xf32>
    %transpose3A = tpu.transpose %reshape3A, [1, 2, 0] : vector<1024x20x32xf32> -> vector<20x32x1024xf32>
    %swap3A = arith.constant 0 : index
    %swap3A_6 = arith.constant 0 : index
    %swap3A_7 = arith.constant 0 : index
    %swap3A_8 = vector.load %arg3[%swap3A, %swap3A_6, %swap3A_7] : memref<20x32x1024xf32, #tpu.memory_space<vmem>>, vector<20x32x1024xf32>
    tpu.vector_store %arg3[%swap3A, %swap3A_6, %swap3A_7], %transpose3A {strides = array<i32>} : memref<20x32x1024xf32, #tpu.memory_space<vmem>>, vector<20x32x1024xf32>,
    return
  }
  func.func @transform_0(%arg0: i32) -> (i32, i32) {
    %c0_i32 = arith.constant 0 : i32
    %c0_i32_0 = arith.constant 0 : i32
    return %arg0, %c0_i32 : i32, i32
  }
  func.func @transform_1(%arg0: i32) -> (i32, i32) {
    %c0_i32 = arith.constant 0 : i32
    %c0_i32_0 = arith.constant 0 : i32
    %c0_i32_1 = arith.constant 0 : i32
    return %c0_i32, %c0_i32_0 : i32, i32
  }
  func.func @transform_2(%arg0: i32) -> (i32, i32, i32) {
    %c0_i32 = arith.constant 0 : i32
    %c0_i32_0 = arith.constant 0 : i32
    %c0_i32_1 = arith.constant 0 : i32
    return %c0_i32, %c0_i32_0, %arg0 : i32, i32, i32
  }
}

</mosaic_0001>

<sc_bundles>
// kernel: kernel.4.cloned.1.call-start
scs
__scs_entry_jumppad:
0x0: {  	(pc) =	sbr.rel $0x88, $3  }
0x1: {  	(tag) =	ssettag $0x0;
	lr =	simm.s32 $0x1  }
0x2: {  	[smem:$0x3F9E] =	sst lr;
	_ =	strace $0xD0000000  }
0x3: {  	_ = 	snop  }
0x4: {  	_ = 	snop  }
0x5: {  	_ = 	snop  }
0x6: {  	_ = 	snop  }
0x7: {  	_ = 	snop  }
__scs_overlays_trampoline_lowered:
0x8: {  	[smem:$0x3FAD] =	sst s0  }
0x9: {  	[smem:$0x3FAE] =	sst s1  }
0xa: {  	[smem:$0x3FAF] =	sst s2  }
0xb: {  	[smem:$0x3FB0] =	sst s3  }
0xc: {  	[smem:$0x3FB1] =	sst s4  }
0xd: {  	[smem:$0x3FB2] =	sst s5  }
0xe: {  	[smem:$0x3FB3] =	sst s6  }
0xf: {  	[smem:$0x3FB4] =	sst s7  }
0x10: {  	[smem:$0x3FB5] =	sst s8  }
0x11: {  	[smem:$0x3FB6] =	sst s9;
	s0 =	simm.s32 @!p0 $0x0  }
0x12: {  	s1 =	sld [smem:$0x3F9C];
	s0 =	simm.s32 @p0 $0x1  }
0x13: {  	[smem:$0x3FB7] =	sst s0;
	s0 =	simm.s32 @!p1 $0x0  }
0x14: {  	s2 =	sld [smem:$0x3F9B];
	s0 =	simm.s32 @p1 $0x1  }
0x15: {  	[smem:$0x3FB8] =	sst s0;
	s0 =	simm.s32 @!p2 $0x0  }
0x16: {  	s3 =	sld [smem:$0x3FDB];
	s0 =	simm.s32 @p2 $0x1  }
0x17: {  	s4 =	simm.s32 $0x1BF5;
	[smem:$0x3FBA] =	sst s0  }
0x18: {  	s0 =	sld [smem:$0x3F9D];
	_ =	swait.ge [sflag:s4], $0x0  }
0x19: {  	s7 =	sld [smem:$0x3F9E]  }
0x1a: {  	s8 =	sadd.s32 $0xFFFFE003, lr  }
0x1b: {  	s9 =	sadd.s32 $0xFFFFFEF7, lr;
	s5 =	simm.s32 $0xFFFFFFFF;
	p2 =	slt.u32 s8, $0xFFFFF086  }
0x1c: {  	p1 =	slt.u32 s9, $0xF7A;
	s5 =	simm.s32 @!p2 $0x0  }
0x1d: {  	s5 =	simm.s32 @p1 $0x1;
	p0 =	seq.s32 s7, s2  }
0x1e: {  	s7 =	smul.u32 @!p0 $0xF7A, s2;
	p2 =	seq.s32 @!p0 s5, $0x0  }
0x1f: {  	s9 =	smul.u32 $0xF7A, s1;
	s8 =	simm.s32 @!p0 $0x1BF5;
	p2 =	por !p2, p0  }
0x20: {  	[sflag:s8] =	ssyncset.s32 @!p0 $0xFFFFF086;
	s6 =	sadd.s32 @!p0 s3, s7;
	s7 =	simm.s32 @!p0 $0x108  }
0x21: {  	s3 =	sadd.s32 s3, s9;
	s6 =	sadd.s32 @!p0 $0x88, s6;
	s7 =	simm.s32 @p2 $0x1082  }
0x22: {  	[simem:s7], [sflag:s8] =	dma.local @!p0 [hbm:s6], $0xF7A  }
0x23: {  	s9 =	sor.u32 $0xD0000000, s2;
	s6 =	simm.s32 $0x108;
	_ =	swait.ge @!p0 [sflag:s8], $0x0  }
0x24: {  	s3 =	sadd.s32 $0x88, s3;
	s6 =	simm.s32 @!p1 $0x1082;
	[sflag:s4] =	ssyncset.s32 $0xFFFFF086  }
0x25: {  	[simem:s6], [sflag:s4] =	dma.local [hbm:s3], $0xF7A  }
0x26: {  	[smem:$0x3F9E] =	sst s1;
	(tag) =	ssettag s2;
	_ =	strace s9  }
0x27: {  	s1 =	sld [smem:$0x3FAE]  }
0x28: {  	s2 =	sld [smem:$0x3FAF]  }
0x29: {  	s4 =	sld [smem:$0x3FB1]  }
0x2a: {  	p0 =	seq.s32 s5, $0x0;
	s5 =	sld [smem:$0x3FB2]  }
0x2b: {  	s6 =	sld [smem:$0x3FB3]  }
0x2c: {  	s7 =	sld [smem:$0x3FB4]  }
0x2d: {  	s3 =	simm.s32 $0x108;
	s8 =	sld [smem:$0x3FB5]  }
0x2e: {  	s3 =	simm.s32 @!p0 $0x1082;
	s9 =	sld [smem:$0x3FB6]  }
0x2f: {  	lr =	sadd.s32 s0, s3;
	s0 =	sld [smem:$0x3FAD]  }
0x30: {  	s3 =	sld [smem:$0x3FB0]  }
0x31: {  	[smem:$0x3FB9] =	sst s10  }
0x32: {  	s10 =	sld [smem:$0x3FB7];
	_ =	sdelay $0x3  }
0x33: {  	p0 =	seq.s32 s10, $0x1;
	s10 =	sld [smem:$0x3FB9];
	_ =	sdelay $0x3  }
0x34: {  	[smem:$0x3FB9] =	sst s10  }
0x35: {  	s10 =	sld [smem:$0x3FB8];
	_ =	sdelay $0x3  }
0x36: {  	p1 =	seq.s32 s10, $0x1;
	s10 =	sld [smem:$0x3FB9];
	_ =	sdelay $0x3  }
0x37: {  	[smem:$0x3FB9] =	sst s10  }
0x38: {  	s10 =	sld [smem:$0x3FBA]  }
0x39: {  	_ = 	snop;
	(pc) =	sbr.ind lr, $3  }
0x3a: {  	_ = 	snop  }
0x3b: {  	_ = 	snop  }
0x3c: {  	p2 =	seq.s32 s10, $0x1;
	s10 =	sld [smem:$0x3FB9]  }
0x3d: {  	_ =	shalt  }
0x3e: {  	_ =	shalt  }
0x3f: {  	_ =	shalt  }
0x40: {  	_ =	shalt  }
0x41: {  	_ =	shalt  }
0x42: {  	_ =	shalt  }
0x43: {  	_ =	shalt  }
0x44: {  	_ =	shalt  }
0x45: {  	_ =	shalt  }
0x46: {  	_ =	shalt  }
0x47: {  	_ =	shalt  }
0x48: {  	_ =	shalt  }
0x49: {  	_ =	shalt  }
0x4a: {  	_ =	shalt  }
0x4b: {  	_ =	shalt  }
0x4c: {  	_ =	shalt  }
0x4d: {  	_ =	shalt  }
0x4e: {  	_ =	shalt  }
0x4f: {  	_ =	shalt  }
0x50: {  	_ =	shalt  }
0x51: {  	_ =	shalt  }
0x52: {  	_ =	shalt  }
0x53: {  	_ =	shalt  }
0x54: {  	_ =	shalt  }
0x55: {  	_ =	shalt  }
0x56: {  	_ =	shalt  }
0x57: {  	_ =	shalt  }
0x58: {  	_ =	shalt  }
0x59: {  	_ =	shalt  }
0x5a: {  	_ =	shalt  }
0x5b: {  	_ =	shalt  }
0x5c: {  	_ =	shalt  }
0x5d: {  	_ =	shalt  }
0x5e: {  	_ =	shalt  }
0x5f: {  	_ =	shalt  }
0x60: {  	_ =	shalt  }
0x61: {  	_ =	shalt  }
0x62: {  	_ =	shalt  }
0x63: {  	_ =	shalt  }
0x64: {  	_ =	shalt  }
0x65: {  	_ =	shalt  }
0x66: {  	_ =	shalt  }
0x67: {  	_ =	shalt  }
0x68: {  	_ =	shalt  }
0x69: {  	_ =	shalt  }
0x6a: {  	_ =	shalt  }
0x6b: {  	_ =	shalt  }
0x6c: {  	_ =	shalt  }
0x6d: {  	_ =	shalt  }
0x6e: {  	_ =	shalt  }
0x6f: {  	_ =	shalt  }
0x70: {  	_ =	shalt  }
0x71: {  	_ =	shalt  }
0x72: {  	_ =	shalt  }
0x73: {  	_ =	shalt  }
0x74: {  	_ =	shalt  }
0x75: {  	_ =	shalt  }
0x76: {  	_ =	shalt  }
0x77: {  	_ =	shalt  }
0x78: {  	_ =	shalt  }
0x79: {  	_ =	shalt  }
0x7a: {  	_ =	shalt  }
0x7b: {  	_ =	shalt  }
0x7c: {  	_ =	shalt  }
0x7d: {  	_ =	shalt  }
0x7e: {  	_ =	shalt  }
0x7f: {  	_ =	shalt  }
0x80: {  	_ =	shalt  }
0x81: {  	_ =	shalt  }
0x82: {  	_ =	shalt  }
0x83: {  	_ =	shalt  }
0x84: {  	_ =	shalt  }
0x85: {  	_ =	shalt  }
0x86: {  	_ =	shalt  }
0x87: {  	_ =	shalt  }
.Lfunc_end0:
.L_simem_size_0:
called_computation_lowered:
.L_overlay_start_0:
0x88: {  	s2 =	sld [smem:$0x3FD9]  }
0x89: {  	s3 =	sld [smem:$0x3FFE];
	_ =	sdelay $0x1  }
0x8a: {  	s1 =	srdreg.scid  }
0x8b: {  	s0 =	sand.u32 $0x1, s1  }
0x8c: {  	s17 =	sshll.u32 s0, $0xA;
	s2 =	sadd.s32 s3, s2  }
0x8d: {  	s2 =	sadd.s32 s2, s17  }
0x8e: {  	[smem:$0x3FC5] =	sst s2  }
0x8f: {  	_ = 	snop  }
0x90: {  	s2 =	sld [smem:$0x3FD0];
	(tm) =	ssettm $0x1  }
0x91: {  	s18 =	sld [smem:$0x3FFB];
	_ =	sdelay $0x3  }
0x92: {  	_ =	strace s18  }
0x93: {  	s3 =	sld [smem:$0x3FFC];
	_ =	sdelay $0x3  }
0x94: {  	_ =	strace s3  }
0x95: {  	s3 =	sld [smem:$0x3FFD];
	_ =	sdelay $0x3  }
0x96: {  	_ =	strace s3  }
0x97: {  	_ =	strace $0x8FFFFFFF  }
0x98: {  	s19 =	sld [smem:$0x3FDB];
	_ =	sdelay $0x1  }
0x99: {  	s4 =	simm.s32 $_scs_section_size  }
0x9a: {  	s5 =	simm.s32 $_size__tile_overlayer_lowered;
	s6 =	simm.s32 $_tile_overlayer_lowered  }
0x9b: {  	s22 =	simm.s32 $0x1BFF;
	s21 =	sshll.u32 s6, $0x1;
	s3 =	sadd.s32 s4, s19  }
0x9c: {  	s7 =	simm.s32 $0x0;
	s20 =	sshll.u32 s5, $0x1;
	s5 =	sadd.s32 s21, s3  }
0x9d: {  	[timem:s7], [sflag:s22] =	dma.local [hbm:s5], s20  }
0x9e: {  	_ =	swait.ge [sflag:s22], s20  }
0x9f: {  	s4 =	ssub.s32 $0x0, s20;
	[sflag:s22] =	ssyncset.done $0x0  }
0xa0: {  	[sflag:s22] =	ssyncadd.s32 s4;
	_ =	sdelay $0x1  }
0xa1: {  	s23 =	simm.s32 $0x1B8B  }
0xa2: {  	_ =	swait.ge [sflag:s23], $0x1  }
0xa3: {  	[sflag:s23] =	ssyncset.done $0x0  }
0xa4: {  	s25 =	simm.s32 $0x1B8E;
	s24 =	sld [smem:$0x3FFE];
	[sflag:s23] =	ssyncadd.s32 $0xFFFFFFFF  }
0xa5: {  	s26 =	simm.s32 $execute0_lowered;
	[smem:$0x3FD2] =	sst s25  }
0xa6: {  	s5 =	sshll.u32 s26, $0x1;
	_ =	strace $0x80000046;
	[dreg:$0x1] =	wrdreg $0xFFFFFFFF  }
0xa7: {  	s28 =	simm.s32 $_size_execute0_lowered;
	s3 =	sadd.s32 s3, s5;
	[dreg:$0x0] =	wrdreg $0x0  }
0xa8: {  	s5 =	sshll.u32 s28, $0x1;
	[dreg:$0x2] =	wrdreg s3  }
0xa9: {  	[dreg:$0x3] =	wrdreg s5  }
0xaa: {  	[dreg:$0x4] =	wrdreg $0xC0  }
0xab: {  	_ =	task [dreg:s7], $0x5FFFF  }
0xac: {  	[dreg:$0x1] =	wrdreg $0xFFFFFFFF  }
0xad: {  	[dreg:$0x0] =	wrdreg $0x60  }
0xae: {  	[dreg:$0x2] =	wrdreg s2  }
0xaf: {  	[dreg:$0x3] =	wrdreg s24  }
0xb0: {  	[dreg:$0x4] =	wrdreg $0x9  }
0xb1: {  	_ =	task.clear_ibuf [dreg:s7], $0x5FFFF;
	_ =	strace $0x90000046  }
0xb2: {  	s29 =	simm.s32 $0x9;
	_ =	strace $0x80000048  }
0xb3: {  	_ =	swait.ge [sflag:s29], $0x1  }
0xb4: {  	[sflag:s29] =	ssyncadd.s32 $0xFFFFFFFF  }
0xb5: {  	_ =	strace $0x90000048  }
0xb6: {  	_ =	sfence  }
0xb7: {  	s30 =	sld [smem:$0x0];
	_ =	sdelay $0x2  }
0xb8: {  	s31 =	sshll.u32 s1, $0xD;
	s1 =	sshrl.u32 s1, $0x2  }
0xb9: {  	s3 =	sand.u32 $0x4000, s31;
	s1 =	sadd.s32 s1, s30  }
0xba: {  	s0 =	sor.u32 s3, s0;
	s1 =	sshll.u32 s1, $0x11  }
0xbb: {  	s0 =	sor.u32 s1, s0  }
0xbc: {  	s0 =	sadd.s32 $0x8F2B, s0  }
0xbd: {  	[sflag:s0] =	ssyncadd.remote.s32 $0x1  }
0xbe: {  	_ =	sfence.sel $0xFFFF  }
0xbf: {  	[dreg:$0x0] =	wrdreg $0xFFFFFFFF;
	(pc) =	sbr.abs _section_cstart, $3  }
0xc0: {  	[dreg:$0x1] =	wrdreg $0xFFFFFFFF  }
0xc1: {  	_ =	task.clear_ibuf [dreg:s7], $0x2FFFF;
	_ =	strace $0x9FFFFFFF  }
0xc2: {  	(tm) =	ssettm $0x7FFFFFFF  }
0xc3: {  	_ =	shalt  }
tec
execute0_lowered:
.L_overlay_start_1:
0x0: {  	(tag) =	ssettag $0x1  }
0x1: {  	s1 =	srdreg.scid;
	s2 =	rddreg [dreg:$0x0]  }
0x2: {  	s0 =	stileid.u32;
	s5 =	rddreg [dreg:$0x1]  }
0x3: {  	s3 =	simm.s32 $0x0;
	s11 =	simm.s32 $0x3000;
	s12 =	simm.s32 $0x3400  }
0x4: {  	s13 =	simm.s32 $0x1;
	s14 =	simm.s32 $0x2;
	s15 =	simm.s32 $0x3  }
0x5: {  	s16 =	simm.s32 $0x4;
	s17 =	simm.s32 $0x0;
	s4 =	sand.u32 $0x1, s1  }
0x6: {  	s28 =	sshll.u32 s0, $0x1;
	s1 =	rddreg [dreg:$0x2];
	s7 =	smul.u32 $0x5000, s0  }
0x7: {  	[smem:$0x7FF] =	sst s3;
	s6 =	sor.u32 s4, s28;
	s10 =	smul.u32 $0x2800, s4  }
0x8: {  	s8 =	ssub.s32 $0x2, s4;
	_ =	strace $0x80000047;
	s6 =	smul.u32 $0x500, s6  }
0x9: {  	s9 =	sshrl.u32 s8, $0x1;
	s30 =	sadd.s32 s7, s5;
	s7 =	simm.s32 $0x5  }
0xa: {  	s31 =	ssub.s32 s8, s9;
	s8 =	simm.s32 $0x80;
	s9 =	simm.s32 $0x2800  }
0xb: {  	s29 =	sadd.s32 s6, s5;
	s5 =	smax.u32 s31, $0x1;
	s6 =	sadd.s32 s10, s30  }
0xc: {  	s10 =	simm.s32 $0x2C00;
	s4 =	sadd.s32 $0x400, s29;
	s6 =	sadd.s32 $0xA400, s6  }
.LBB2_1:
0xd: {  	[tilespmem:s3], [sflag:$0x5] =	stream.linear.gather [hbm4b:s4+s3], $0x2800, $0x38;
	[tilespmem:$0x3800] =	vst v63  }
0xe: {  	_ =	swait.ge [sflag:s7], $0x2800  }
0xf: {  	[sflag:s7] =	ssyncset.done $0x0  }
0x10: {  	s18 =	simm.s32 $0x0;
	[sflag:s7] =	ssyncadd.s32 $0xFFFFD800  }
0x11: {  	[tilespmem:s9], [sflag:$0x1] =	stream.indirect.gather [hbm4b:s2+s8], $0x8, s18, s8, $0xb8;
	[tilespmem:$0x3800] =	vst v63  }
0x12: {  	s28 =	simm.s32 $0x80  }
0x13: {  	[tilespmem:s10], [sflag:$0x2] =	stream.indirect.gather [hbm4b:s2+s8], $0x8, s28, s8, $0xb8;
	[tilespmem:$0x3800] =	vst v63  }
0x14: {  	s29 =	simm.s32 $0x100  }
0x15: {  	[tilespmem:s11], [sflag:$0x3] =	stream.indirect.gather [hbm4b:s2+s8], $0x8, s29, s8, $0xb8;
	[tilespmem:$0x3800] =	vst v63  }
0x16: {  	s30 =	simm.s32 $0x180  }
0x17: {  	[tilespmem:s12], [sflag:$0x4] =	stream.indirect.gather [hbm4b:s2+s8], $0x8, s30, s8, $0xb8;
	[tilespmem:$0x3800] =	vst v63  }
0x18: {  	_ =	swait.ge [sflag:s13], $0x400  }
0x19: {  	[sflag:s13] =	ssyncset.done $0x0  }
0x1a: {  	[sflag:s13] =	ssyncadd.s32 $0xFFFFFC00  }
0x1b: {  	_ =	swait.ge [sflag:s14], $0x400  }
0x1c: {  	[sflag:s14] =	ssyncset.done $0x0  }
0x1d: {  	[sflag:s14] =	ssyncadd.s32 $0xFFFFFC00  }
0x1e: {  	_ =	swait.ge [sflag:s15], $0x400  }
0x1f: {  	[sflag:s15] =	ssyncset.done $0x0  }
0x20: {  	[sflag:s15] =	ssyncadd.s32 $0xFFFFFC00  }
0x21: {  	_ =	swait.ge [sflag:s16], $0x400  }
0x22: {  	[sflag:s16] =	ssyncset.done $0x0  }
0x23: {  	s31 =	sadd.s32 $0x0, s6;
	[sflag:s16] =	ssyncadd.s32 $0xFFFFFC00  }
0x24: {  	[hbm4b:s31+s3] =	stream.linear.scatter [tilespmem:s9], [sflag:$0x5], $0x1000, $0x38;
	[tilespmem:$0x3800] =	vst v63  }
0x25: {  	s20 =	simm.s32 $0x400;
	_ =	swait.ge [sflag:s7], $0x1000  }
0x26: {  	s19 =	simm.s32 $0x380;
	s18 =	simm.s32 $0x200;
	[sflag:s7] =	ssyncset.done $0x0  }
.LBB2_2:
0x27: {  	p0 =	sne.s32 s20, $0x2600;
	s21 =	sadd.s32 $0xFFFFFE80, s19;
	[sflag:s7] =	ssyncadd.s32 $0xFFFFF000  }
0x28: {  	[tilespmem:s9], [sflag:$0x1] =	stream.indirect.gather [hbm4b:s2+s8], $0x8, s21, s8, $0xb8;
	[tilespmem:$0x3800] =	vst v63  }
0x29: {  	s22 =	smov.u32 s20;
	s20 =	sadd.s32 $0x200, s20;
	s21 =	sadd.s32 $0xFFFFFF00, s19  }
0x2a: {  	[tilespmem:s10], [sflag:$0x2] =	stream.indirect.gather [hbm4b:s2+s8], $0x8, s21, s8, $0xb8;
	[tilespmem:$0x3800] =	vst v63  }
0x2b: {  	s21 =	sadd.s32 $0xFFFFFF80, s19  }
0x2c: {  	[tilespmem:s11], [sflag:$0x3] =	stream.indirect.gather [hbm4b:s2+s8], $0x8, s21, s8, $0xb8;
	[tilespmem:$0x3800] =	vst v63  }
0x2d: {  	_ = 	snop  }
0x2e: {  	[tilespmem:s12], [sflag:$0x4] =	stream.indirect.gather [hbm4b:s2+s8], $0x8, s19, s8, $0xb8;
	[tilespmem:$0x3800] =	vst v63  }
0x2f: {  	_ =	swait.ge [sflag:s13], $0x400  }
0x30: {  	[sflag:s13] =	ssyncset.done $0x0  }
0x31: {  	[sflag:s13] =	ssyncadd.s32 $0xFFFFFC00  }
0x32: {  	_ =	swait.ge [sflag:s14], $0x400  }
0x33: {  	[sflag:s14] =	ssyncset.done $0x0  }
0x34: {  	[sflag:s14] =	ssyncadd.s32 $0xFFFFFC00  }
0x35: {  	_ =	swait.ge [sflag:s15], $0x400  }
0x36: {  	[sflag:s15] =	ssyncset.done $0x0  }
0x37: {  	[sflag:s15] =	ssyncadd.s32 $0xFFFFFC00  }
0x38: {  	_ =	swait.ge [sflag:s16], $0x400  }
.Ltmp0:
0x39: {  	[sflag:s16] =	ssyncset.done $0x0;
	(pc) =	sbr.rel @p0 .LBB2_2-.Ltmp0, $4  }
0x3a: {  	s21 =	sadd.s32 s18, s6;
	s18 =	smov.u32 s22;
	[sflag:s16] =	ssyncadd.s32 $0xFFFFFC00  }
0x3b: {  	[hbm4b:s21+s3] =	stream.linear.scatter [tilespmem:s9], [sflag:$0x5], $0x1000, $0x38;
	[tilespmem:$0x3800] =	vst v63  }
0x3c: {  	_ =	swait.ge [sflag:s7], $0x1000  }
0x3d: {  	s19 =	sadd.s32 $0x200, s19;
	[sflag:s7] =	ssyncset.done $0x0  }
0x3e: {  	s20 =	sadd.s32 $0xFFFFFE80, s19;
	[sflag:s7] =	ssyncadd.s32 $0xFFFFF000  }
0x3f: {  	[tilespmem:s9], [sflag:$0x1] =	stream.indirect.gather [hbm4b:s2+s8], $0x8, s20, s8, $0xb8;
	[tilespmem:$0x3800] =	vst v63  }
0x40: {  	s30 =	sadd.s32 $0xFFFFFF00, s19  }
0x41: {  	[tilespmem:s10], [sflag:$0x2] =	stream.indirect.gather [hbm4b:s2+s8], $0x8, s30, s8, $0xb8;
	[tilespmem:$0x3800] =	vst v63  }
0x42: {  	s31 =	sadd.s32 $0xFFFFFF80, s19  }
0x43: {  	[tilespmem:s11], [sflag:$0x3] =	stream.indirect.gather [hbm4b:s2+s8], $0x8, s31, s8, $0xb8;
	[tilespmem:$0x3800] =	vst v63  }
0x44: {  	_ = 	snop  }
0x45: {  	[tilespmem:s12], [sflag:$0x4] =	stream.indirect.gather [hbm4b:s2+s8], $0x8, s19, s8, $0xb8;
	[tilespmem:$0x3800] =	vst v63  }
0x46: {  	_ =	swait.ge [sflag:s13], $0x400  }
0x47: {  	[sflag:s13] =	ssyncset.done $0x0  }
0x48: {  	[sflag:s13] =	ssyncadd.s32 $0xFFFFFC00  }
0x49: {  	_ =	swait.ge [sflag:s14], $0x400  }
0x4a: {  	[sflag:s14] =	ssyncset.done $0x0  }
0x4b: {  	[sflag:s14] =	ssyncadd.s32 $0xFFFFFC00  }
0x4c: {  	_ =	swait.ge [sflag:s15], $0x400  }
0x4d: {  	[sflag:s15] =	ssyncset.done $0x0  }
0x4e: {  	[sflag:s15] =	ssyncadd.s32 $0xFFFFFC00  }
0x4f: {  	s17 =	sadd.s32 $0x1, s17;
	_ =	swait.ge [sflag:s16], $0x400  }
0x50: {  	p0 =	sne.s32 s17, s5;
	[sflag:s16] =	ssyncset.done $0x0  }
.Ltmp1:
0x51: {  	s18 =	sadd.s32 s18, s6;
	[sflag:s16] =	ssyncadd.s32 $0xFFFFFC00;
	(pc) =	sbr.rel @p0 .LBB2_1-.Ltmp1, $4  }
0x52: {  	[hbm4b:s18+s3] =	stream.linear.scatter [tilespmem:s9], [sflag:$0x5], $0x1000, $0x38;
	[tilespmem:$0x3800] =	vst v63  }
0x53: {  	_ =	swait.ge [sflag:s7], $0x1000  }
0x54: {  	[sflag:s7] =	ssyncset.done $0x0  }
0x55: {  	[sflag:s7] =	ssyncadd.s32 $0xFFFFF000  }
0x56: {  	_ =	sfence.sel $0x180000  }
0x57: {  	[bflag:$0x0] =	sbarrier.arrive $0xFFFF  }
0x58: {  	p0 =	sne.s32 s0, $0x0;
	_ =	strace $0x90000047  }
0x59: {  	s0 =	sadd.s32 @!p0 $0x100000, s1;
	[bflag:$0x2] =	sbarrier.arrive $0xFFFF  }
0x5a: {  	[sflag:s0] =	ssyncadd.tile.s32 @!p0 $0x1;
	_ =	shalt  }
.Lfunc_end2:
_tile_overlayer_lowered:
.L_overlay_start_2:
0x5b: {  	(tag) =	ssettag $0x2  }
0x5c: {  	s0 =	rddreg [dreg:$0x0];
	s2 =	stileid.u32  }
0x5d: {  	s1 =	rddreg [dreg:$0x1];
	p0 =	sne.s32 s2, $0x0  }
0x5e: {  	s3 =	rddreg [dreg:$0x2];
	[bflag:$0x3] =	sbarrier.arrive $0xFFFF;
	s2 =	simm.s32 @!p0 $0x1C05  }
0x5f: {  	[timem:s3], [sflag:s2] =	dma.local @!p0 [hbm:s0], s1  }
0x60: {  	s0 =	simm.s32 @!p0 $0x5  }
0x61: {  	_ =	swait.ge @!p0 [sflag:s0], s1  }
0x62: {  	s1 =	ssub.s32 @!p0 $0x0, s1;
	[sflag:s0] =	ssyncset.done @!p0 $0x0  }
0x63: {  	[sflag:s0] =	ssyncadd.s32 @!p0 s1  }
0x64: {  	[bflag:$0x3] =	sbarrier.arrive $0xFFFF  }
0x65: {  	_ =	shalt  }

</sc_bundles>
